<compile_context>
chip_gen: v7x
topology: tpu7x:2x2x1
jax: 0.10.2.dev20260603
libtpu: 0.0.44.dev20260713+nightly
codegen_flags: <defaults>
</compile_context>

<pallas_src>
import functools
import math

import jax
import jax.numpy as jnp
from jax import lax
from jax.experimental import pallas as pl
from jax.experimental.pallas import tpu as pltpu
from jax.experimental.pallas import tpu_sc as plsc

_B, _N, _K, _ET = 4, 256, 128, 1024
_ROWS = _B * _N
_HALF = _ROWS // 2
_NC, _NS = 2, 16
_NW = _NC * _NS
_LANES = 16
_RB = 128


def _sc_affine(x2, et2, mul_flat, bias_flat, base, nrows):
    rpw = nrows // _NW
    nsl = _N // _LANES

    def body(x_hbm, et_hbm, mul_hbm, bias_hbm, out_hbm,
             xv, etv, mulv, biasv, outv):
        wid = lax.axis_index("s") * _NC + lax.axis_index("c")
        src = base + wid * rpw
        dst = wid * rpw
        pltpu.sync_copy(mul_hbm, mulv)
        pltpu.sync_copy(bias_hbm, biasv)
        pltpu.sync_copy(x_hbm.at[pl.ds(src, rpw)], xv)
        pltpu.sync_copy(et_hbm.at[pl.ds(src, rpw)], etv)

        @plsc.parallel_loop(0, rpw * nsl, unroll=8)
        def _(i):
            r = i // nsl
            sl = pl.ds((i % nsl) * _LANES, _LANES)
            idx = etv[r, sl]
            m = plsc.load_gather(mulv, [idx])
            b = plsc.load_gather(biasv, [idx])
            outv[r, sl] = m * xv[r, sl] + b

        pltpu.sync_copy(outv, out_hbm.at[pl.ds(dst, rpw)])

    mesh = plsc.VectorSubcoreMesh(core_axis_name="c", subcore_axis_name="s")
    kern = functools.partial(
        pl.kernel,
        mesh=mesh,
        compiler_params=pltpu.CompilerParams(needs_layout_passes=False),
        out_type=jax.ShapeDtypeStruct((nrows, _N), jnp.float32),
        scratch_types=[
            pltpu.VMEM((rpw, _N), jnp.float32),
            pltpu.VMEM((rpw, _N), jnp.int32),
            pltpu.VMEM((_ET,), jnp.float32),
            pltpu.VMEM((_ET,), jnp.float32),
            pltpu.VMEM((rpw, _N), jnp.float32),
        ],
    )(body)
    return kern(x2, et2, mul_flat, bias_flat)


def _gauss_body(xe_ref, mean_ref, std_ref, out_ref):
    mean = mean_ref[...].reshape(1, 1, _K)
    s = jnp.abs(std_ref[...]).reshape(1, 1, _K) + 1e-5
    g = math.sqrt(0.5 * math.log2(math.e)) / s
    log2coef = -jnp.log2(s) - math.log2(math.sqrt(2.0 * math.pi))
    xv = xe_ref[...]
    t = (xv[:, :, None] - mean) * g
    out_ref[...] = jnp.exp2(log2coef - t * t)


def _tc_gauss(xe, means, stds):
    nblk = _ROWS // _RB
    small = pl.BlockSpec((1, _K), lambda i: (0, 0))
    return pl.pallas_call(
        _gauss_body,
        grid=(nblk,),
        in_specs=[pl.BlockSpec((_RB, _N), lambda i: (i, 0)), small, small],
        out_specs=pl.BlockSpec((_RB, _N, _K), lambda i: (i, 0, 0)),
        out_shape=jax.ShapeDtypeStruct((_ROWS, _N, _K), jnp.float32),
    )(xe, means, stds)


@jax.jit
def kernel(x, edge_type, means, stds, mul, bias):
    x2 = x.reshape(_ROWS, _N)
    et2 = edge_type.reshape(_ROWS, _N)
    mulf = mul.reshape(_ET)
    biasf = bias.reshape(_ET)
    xe = _sc_affine(x2, et2, mulf, biasf, 0, _ROWS)
    out = _tc_gauss(xe, means, stds)
    return out.reshape(_B, _N, _N, _K)

# --- scband reference (transcript-rebuilt; emitter-appended) ---
"""Pipeline reference for scband-gaussian-layer-45681272160318 (READ-ONLY COPY).

The authoritative reference and input builder live on the scoring server;
editing this copy changes nothing except your own understanding.
"""

import jax, jax.numpy as jnp
import numpy as np
import math

B, N, K, ET = 4, 256, 128, 1024


def gaussian(x, mean, std):
    a = (2.0 * math.pi) ** 0.5
    return jnp.exp(-0.5 * (((x - mean) / std) ** 2)) / (a * std)


def setup_inputs(seed: int = 0) -> dict:
    key = jax.random.key(seed)
    k1, k2, k3, k4 = jax.random.split(key, 4)
    x = jax.random.normal(k1, (B, N, N), dtype=jnp.float32)
    edge_type = jax.random.randint(k2, (B, N, N), 0, ET, dtype=jnp.int32)
    # learned params per __init__: means/stds ~ U(0,3); mul init 1, bias init 0
    means = jax.random.uniform(k3, (1, K), minval=0.0, maxval=3.0, dtype=jnp.float32)
    stds = jax.random.uniform(k4, (1, K), minval=0.0, maxval=3.0, dtype=jnp.float32)
    mul = jnp.ones((ET, 1), dtype=jnp.float32)
    bias = jnp.zeros((ET, 1), dtype=jnp.float32)
    return {"x": x, "edge_type": edge_type, "means": means, "stds": stds, "mul": mul, "bias": bias}


def reference(x, edge_type, means, stds, mul, bias):
    # embedding gathers: mul/bias tables indexed by edge_type -> [B, N, N, 1]
    m = jnp.take(mul, edge_type, axis=0)
    b = jnp.take(bias, edge_type, axis=0)
    xe = m * x[..., None] + b                      # [B, N, N, 1]
    xe = jnp.broadcast_to(xe, (B, N, N, K))        # expand to K kernels
    mean = means.astype(jnp.float32).reshape(-1)   # [K]
    std = jnp.abs(stds.astype(jnp.float32).reshape(-1)) + 1e-5  # [K]
    return gaussian(xe.astype(jnp.float32), mean, std)

if __name__ == "__main__":
    import jax
    _d = setup_inputs()
    print(jax.jit(kernel)(*tuple(_d.values())))

</pallas_src>

<mosaic_0001>
#map = affine_map<(d0, d1) -> (0, 0)>
#map1 = affine_map<(d0, d1) -> (0)>
module attributes {stable_mosaic.version = 14 : i64} {
  func.func @body(%arg0: i32, %arg1: i32, %arg2: memref<1024x256xf32, #tpu.memory_space<hbm>>, %arg3: memref<1024x256xi32, #tpu.memory_space<hbm>>, %arg4: memref<1024xf32, #tpu.memory_space<hbm>>, %arg5: memref<1024xf32, #tpu.memory_space<hbm>>, %arg6: memref<1024x256xf32, #tpu.memory_space<hbm>>, %arg7: memref<32x256xf32, #tpu.memory_space<vmem>>, %arg8: memref<32x256xi32, #tpu.memory_space<vmem>>, %arg9: memref<1024xf32, #tpu.memory_space<vmem>>, %arg10: memref<1024xf32, #tpu.memory_space<vmem>>, %arg11: memref<32x256xf32, #tpu.memory_space<vmem>>) attributes {dimension_semantics = [#tpu.dimension_semantics<core_parallel>, #tpu.dimension_semantics<subcore_parallel>], iteration_bounds = array<i64: 2, 16>, scalar_prefetch = 0 : i64, scratch_operands = 5 : i64, tpu.core_type = #tpu.core_type<sc_vector_subcore>, window_params = [{transform_indices = #map}, {transform_indices = #map}, {transform_indices = #map1}, {transform_indices = #map1}, {transform_indices = #map}]} {
    %mul3A = arith.constant 2 : i32
    %mul3A_0 = arith.muli %arg1, %mul3A : i32
    %add3A = arith.addi %mul3A_0, %arg0 : i32
    %mul3A_1 = arith.constant 32 : i32
    %mul3A_2 = arith.muli %add3A, %mul3A_1 : i32
    %add3A_3 = arith.constant 0 : i32
    %add3A_4 = arith.addi %add3A_3, %mul3A_2 : i32
    %mul3A_5 = arith.constant 32 : i32
    %mul3A_6 = arith.muli %add3A, %mul3A_5 : i32
    "tpu.region"() ({
      %run_scoped3A = tpu.sem_alloc : memref<!tpu.dma_semaphore, #tpu.memory_space<semaphore_mem>>
      tpu.enqueue_dma source(%arg4 : memref<1024xf32, #tpu.memory_space<hbm>>) target(%arg9 : memref<1024xf32, #tpu.memory_space<vmem>>) target_semaphore(%run_scoped3A : memref<!tpu.dma_semaphore, #tpu.memory_space<semaphore_mem>>)
      tpu.wait_dma2 semaphore(%run_scoped3A : memref<!tpu.dma_semaphore, #tpu.memory_space<semaphore_mem>>) src(%arg4 : memref<1024xf32, #tpu.memory_space<hbm>>) dst(%arg9 : memref<1024xf32, #tpu.memory_space<vmem>>)
      tpu.yield
    }) : () -> ()
    "tpu.region"() ({
      %run_scoped3A = tpu.sem_alloc : memref<!tpu.dma_semaphore, #tpu.memory_space<semaphore_mem>>
      tpu.enqueue_dma source(%arg5 : memref<1024xf32, #tpu.memory_space<hbm>>) target(%arg10 : memref<1024xf32, #tpu.memory_space<vmem>>) target_semaphore(%run_scoped3A : memref<!tpu.dma_semaphore, #tpu.memory_space<semaphore_mem>>)
      tpu.wait_dma2 semaphore(%run_scoped3A : memref<!tpu.dma_semaphore, #tpu.memory_space<semaphore_mem>>) src(%arg5 : memref<1024xf32, #tpu.memory_space<hbm>>) dst(%arg10 : memref<1024xf32, #tpu.memory_space<vmem>>)
      tpu.yield
    }) : () -> ()
    "tpu.region"() ({
      %run_scoped3A = tpu.sem_alloc : memref<!tpu.dma_semaphore, #tpu.memory_space<semaphore_mem>>
      %dma_start3A = arith.constant 0 : i32
      %dma_start3A_9 = tpu.memref_slice %arg2[%add3A_4, %dma_start3A] : memref<1024x256xf32, #tpu.memory_space<hbm>> -> memref<32x256xf32, #tpu.memory_space<hbm>>
      %dma_start3A_10 = arith.constant 0 : i32
      %dma_start3A_11 = tpu.memref_slice %arg2[%add3A_4, %dma_start3A_10] : memref<1024x256xf32, #tpu.memory_space<hbm>> -> memref<32x256xf32, #tpu.memory_space<hbm>>
      tpu.enqueue_dma source(%dma_start3A_11 : memref<32x256xf32, #tpu.memory_space<hbm>>) target(%arg7 : memref<32x256xf32, #tpu.memory_space<vmem>>) target_semaphore(%run_scoped3A : memref<!tpu.dma_semaphore, #tpu.memory_space<semaphore_mem>>)
      %dma_wait3A = arith.constant 0 : i32
      %dma_wait3A_12 = tpu.memref_slice %arg2[%add3A_4, %dma_wait3A] : memref<1024x256xf32, #tpu.memory_space<hbm>> -> memref<32x256xf32, #tpu.memory_space<hbm>>
      %dma_wait3A_13 = arith.constant 0 : i32
      %dma_wait3A_14 = tpu.memref_slice %arg2[%add3A_4, %dma_wait3A_13] : memref<1024x256xf32, #tpu.memory_space<hbm>> -> memref<32x256xf32, #tpu.memory_space<hbm>>
      tpu.wait_dma2 semaphore(%run_scoped3A : memref<!tpu.dma_semaphore, #tpu.memory_space<semaphore_mem>>) src(%dma_wait3A_14 : memref<32x256xf32, #tpu.memory_space<hbm>>) dst(%arg7 : memref<32x256xf32, #tpu.memory_space<vmem>>)
      tpu.yield
    }) : () -> ()
    "tpu.region"() ({
      %run_scoped3A = tpu.sem_alloc : memref<!tpu.dma_semaphore, #tpu.memory_space<semaphore_mem>>
      %dma_start3A = arith.constant 0 : i32
      %dma_start3A_9 = tpu.memref_slice %arg3[%add3A_4, %dma_start3A] : memref<1024x256xi32, #tpu.memory_space<hbm>> -> memref<32x256xi32, #tpu.memory_space<hbm>>
      %dma_start3A_10 = arith.constant 0 : i32
      %dma_start3A_11 = tpu.memref_slice %arg3[%add3A_4, %dma_start3A_10] : memref<1024x256xi32, #tpu.memory_space<hbm>> -> memref<32x256xi32, #tpu.memory_space<hbm>>
      tpu.enqueue_dma source(%dma_start3A_11 : memref<32x256xi32, #tpu.memory_space<hbm>>) target(%arg8 : memref<32x256xi32, #tpu.memory_space<vmem>>) target_semaphore(%run_scoped3A : memref<!tpu.dma_semaphore, #tpu.memory_space<semaphore_mem>>)
      %dma_wait3A = arith.constant 0 : i32
      %dma_wait3A_12 = tpu.memref_slice %arg3[%add3A_4, %dma_wait3A] : memref<1024x256xi32, #tpu.memory_space<hbm>> -> memref<32x256xi32, #tpu.memory_space<hbm>>
      %dma_wait3A_13 = arith.constant 0 : i32
      %dma_wait3A_14 = tpu.memref_slice %arg3[%add3A_4, %dma_wait3A_13] : memref<1024x256xi32, #tpu.memory_space<hbm>> -> memref<32x256xi32, #tpu.memory_space<hbm>>
      tpu.wait_dma2 semaphore(%run_scoped3A : memref<!tpu.dma_semaphore, #tpu.memory_space<semaphore_mem>>) src(%dma_wait3A_14 : memref<32x256xi32, #tpu.memory_space<hbm>>) dst(%arg8 : memref<32x256xi32, #tpu.memory_space<vmem>>)
      tpu.yield
    }) : () -> ()
    %parallel_loop3A = arith.constant 0 : i32
    %parallel_loop3A_7 = arith.constant 512 : i32
    %parallel_loop3A_8 = arith.constant 1 : i32
    scf.for %parallel_loop3A_9 = %parallel_loop3A to %parallel_loop3A_7 step %parallel_loop3A_8  : i32 {
      %parallel_loop3A_10 = arith.constant 16 : i32
      %parallel_loop3A_11 = arith.divsi %parallel_loop3A_9, %parallel_loop3A_10 : i32
      %parallel_loop3A_12 = arith.constant 0 : i32
      %parallel_loop3A_13 = arith.cmpi sgt, %parallel_loop3A_9, %parallel_loop3A_12 : i32
      %parallel_loop3A_14 = arith.extui %parallel_loop3A_13 : i1 to i32
      %parallel_loop3A_15 = arith.constant 0 : i32
      %parallel_loop3A_16 = arith.cmpi slt, %parallel_loop3A_9, %parallel_loop3A_15 : i32
      %parallel_loop3A_17 = arith.extui %parallel_loop3A_16 : i1 to i32
      %parallel_loop3A_18 = arith.subi %parallel_loop3A_14, %parallel_loop3A_17 : i32
      %parallel_loop3A_19 = arith.constant 0 : i32
      %parallel_loop3A_20 = arith.cmpi sgt, %parallel_loop3A_10, %parallel_loop3A_19 : i32
      %parallel_loop3A_21 = arith.extui %parallel_loop3A_20 : i1 to i32
      %parallel_loop3A_22 = arith.constant 0 : i32
      %parallel_loop3A_23 = arith.cmpi slt, %parallel_loop3A_10, %parallel_loop3A_22 : i32
      %parallel_loop3A_24 = arith.extui %parallel_loop3A_23 : i1 to i32
      %parallel_loop3A_25 = arith.subi %parallel_loop3A_21, %parallel_loop3A_24 : i32
      %parallel_loop3A_26 = arith.cmpi ne, %parallel_loop3A_18, %parallel_loop3A_25 : i32
      %parallel_loop3A_27 = arith.remsi %parallel_loop3A_9, %parallel_loop3A_10 : i32
      %parallel_loop3A_28 = arith.constant 0 : i32
      %parallel_loop3A_29 = arith.cmpi ne, %parallel_loop3A_27, %parallel_loop3A_28 : i32
      %parallel_loop3A_30 = arith.andi %parallel_loop3A_26, %parallel_loop3A_29 : i1
      %parallel_loop3A_31 = arith.constant 1 : i32
      %parallel_loop3A_32 = arith.subi %parallel_loop3A_11, %parallel_loop3A_31 : i32
      %parallel_loop3A_33 = arith.select %parallel_loop3A_30, %parallel_loop3A_32, %parallel_loop3A_11 : i32
      %parallel_loop3A_34 = arith.constant 16 : i32
      %parallel_loop3A_35 = arith.constant 0 : i32
      %parallel_loop3A_36 = arith.cmpi eq, %parallel_loop3A_34, %parallel_loop3A_35 : i32
      %parallel_loop3A_37 = arith.constant 1 : i32
      %parallel_loop3A_38 = arith.select %parallel_loop3A_36, %parallel_loop3A_37, %parallel_loop3A_34 : i32
      %parallel_loop3A_39 = arith.remsi %parallel_loop3A_9, %parallel_loop3A_38 : i32
      %parallel_loop3A_40 = arith.constant 0 : i32
      %parallel_loop3A_41 = arith.cmpi ne, %parallel_loop3A_39, %parallel_loop3A_40 : i32
      %parallel_loop3A_42 = arith.constant 0 : i32
      %parallel_loop3A_43 = arith.cmpi slt, %parallel_loop3A_39, %parallel_loop3A_42 : i32
      %parallel_loop3A_44 = arith.constant 0 : i32
      %parallel_loop3A_45 = arith.cmpi slt, %parallel_loop3A_38, %parallel_loop3A_44 : i32
      %parallel_loop3A_46 = arith.xori %parallel_loop3A_43, %parallel_loop3A_45 : i1
      %parallel_loop3A_47 = arith.andi %parallel_loop3A_46, %parallel_loop3A_41 : i1
      %parallel_loop3A_48 = arith.addi %parallel_loop3A_39, %parallel_loop3A_38 : i32
      %parallel_loop3A_49 = arith.select %parallel_loop3A_47, %parallel_loop3A_48, %parallel_loop3A_39 : i32
      %parallel_loop3A_50 = arith.constant 16 : i32
      %parallel_loop3A_51 = arith.muli %parallel_loop3A_49, %parallel_loop3A_50 : i32
      %parallel_loop3A_52 = arith.index_cast %parallel_loop3A_33 : i32 to index
      %parallel_loop3A_53 = arith.index_cast %parallel_loop3A_51 : i32 to index
      %parallel_loop3A_54 = tpu.vector_load %arg8[%parallel_loop3A_52, %parallel_loop3A_53] {strides = array<i32>} : memref<32x256xi32, #tpu.memory_space<vmem>>, vector<16xi32>,
      %parallel_loop3A_55 = tpu.vector_load_idx %arg9[%parallel_loop3A_54] : memref<1024xf32, #tpu.memory_space<vmem>>[vector<16xi32>], vector<16xf32>,
      %parallel_loop3A_56 = tpu.vector_load_idx %arg10[%parallel_loop3A_54] : memref<1024xf32, #tpu.memory_space<vmem>>[vector<16xi32>], vector<16xf32>,
      %parallel_loop3A_57 = arith.index_cast %parallel_loop3A_33 : i32 to index
      %parallel_loop3A_58 = arith.index_cast %parallel_loop3A_51 : i32 to index
      %parallel_loop3A_59 = tpu.vector_load %arg7[%parallel_loop3A_57, %parallel_loop3A_58] {strides = array<i32>} : memref<32x256xf32, #tpu.memory_space<vmem>>, vector<16xf32>,
      %parallel_loop3A_60 = arith.mulf %parallel_loop3A_55, %parallel_loop3A_59 : vector<16xf32>
      %parallel_loop3A_61 = arith.addf %parallel_loop3A_60, %parallel_loop3A_56 : vector<16xf32>
      %parallel_loop3A_62 = arith.index_cast %parallel_loop3A_33 : i32 to index
      %parallel_loop3A_63 = arith.index_cast %parallel_loop3A_51 : i32 to index
      %parallel_loop3A_64 = tpu.vector_load %arg11[%parallel_loop3A_62, %parallel_loop3A_63] {strides = array<i32>} : memref<32x256xf32, #tpu.memory_space<vmem>>, vector<16xf32>,
      tpu.vector_store %arg11[%parallel_loop3A_62, %parallel_loop3A_63], %parallel_loop3A_61 {strides = array<i32>} : memref<32x256xf32, #tpu.memory_space<vmem>>, vector<16xf32>,
    } {sc.loop_unroll_factor = 8 : i64, sc.parallel_access}
    "tpu.region"() ({
      %run_scoped3A = tpu.sem_alloc : memref<!tpu.dma_semaphore, #tpu.memory_space<semaphore_mem>>
      %dma_start3A = arith.constant 0 : i32
      %dma_start3A_9 = tpu.memref_slice %arg6[%mul3A_6, %dma_start3A] : memref<1024x256xf32, #tpu.memory_space<hbm>> -> memref<32x256xf32, #tpu.memory_space<hbm>>
      %dma_start3A_10 = arith.constant 0 : i32
      %dma_start3A_11 = tpu.memref_slice %arg6[%mul3A_6, %dma_start3A_10] : memref<1024x256xf32, #tpu.memory_space<hbm>> -> memref<32x256xf32, #tpu.memory_space<hbm>>
      tpu.enqueue_dma source(%arg11 : memref<32x256xf32, #tpu.memory_space<vmem>>) target(%dma_start3A_11 : memref<32x256xf32, #tpu.memory_space<hbm>>) target_semaphore(%run_scoped3A : memref<!tpu.dma_semaphore, #tpu.memory_space<semaphore_mem>>)
      %dma_wait3A = arith.constant 0 : i32
      %dma_wait3A_12 = tpu.memref_slice %arg6[%mul3A_6, %dma_wait3A] : memref<1024x256xf32, #tpu.memory_space<hbm>> -> memref<32x256xf32, #tpu.memory_space<hbm>>
      %dma_wait3A_13 = arith.constant 0 : i32
      %dma_wait3A_14 = tpu.memref_slice %arg6[%mul3A_6, %dma_wait3A_13] : memref<1024x256xf32, #tpu.memory_space<hbm>> -> memref<32x256xf32, #tpu.memory_space<hbm>>
      tpu.wait_dma2 semaphore(%run_scoped3A : memref<!tpu.dma_semaphore, #tpu.memory_space<semaphore_mem>>) src(%arg11 : memref<32x256xf32, #tpu.memory_space<vmem>>) dst(%dma_wait3A_14 : memref<32x256xf32, #tpu.memory_space<hbm>>)
      tpu.yield
    }) : () -> ()
    return
  }
}

module attributes {stable_mosaic.version = 14 : i64} {
  func.func @_gauss_body(%arg0: i32, %arg1: memref<128x256xf32, #tpu.memory_space<vmem>>, %arg2: memref<1x128xf32, #tpu.memory_space<vmem>>, %arg3: memref<1x128xf32, #tpu.memory_space<vmem>>, %arg4: memref<128x256x128xf32, #tpu.memory_space<vmem>>) attributes {dimension_semantics = [#tpu.dimension_semantics<arbitrary>], iteration_bounds = array<i64: 8>, scalar_prefetch = 0 : i64, scratch_operands = 0 : i64, tpu.core_type = #tpu.core_type<tc>, window_params = [{transform_indices = @transform_0, window_bounds = array<i64: 128, 256>}, {pipeline_mode = #tpu.pipeline_mode<synchronous>, transform_indices = @transform_1, window_bounds = array<i64: 1, 128>}, {pipeline_mode = #tpu.pipeline_mode<synchronous>, transform_indices = @transform_2, window_bounds = array<i64: 1, 128>}, {transform_indices = @transform_3, window_bounds = array<i64: 128, 256, 128>}]} {
    %get3A = arith.constant 0 : index
    %get3A_0 = arith.constant 0 : index
    %get3A_1 = vector.load %arg2[%get3A, %get3A_0] : memref<1x128xf32, #tpu.memory_space<vmem>>, vector<1x128xf32>
    %reshape3A = vector.shape_cast %get3A_1 : vector<1x128xf32> to vector<1x1x128xf32>
    %get3A_2 = arith.constant 0 : index
    %get3A_3 = arith.constant 0 : index
    %get3A_4 = vector.load %arg3[%get3A_2, %get3A_3] : memref<1x128xf32, #tpu.memory_space<vmem>>, vector<1x128xf32>
    %abs3A = math.absf %get3A_4 : vector<1x128xf32>
    %reshape3A_5 = vector.shape_cast %abs3A : vector<1x128xf32> to vector<1x1x128xf32>
    %add3A = arith.constant 9.99999974E-6 : f32
    %add3A_6 = vector.broadcast %add3A : f32 to vector<1x1x128xf32>
    %add3A_7 = arith.addf %reshape3A_5, %add3A_6 : vector<1x1x128xf32>
    %div3A = arith.constant 0.849321782 : f32
    %div3A_8 = vector.broadcast %div3A : f32 to vector<1x1x128xf32>
    %div3A_9 = arith.divf %div3A_8, %add3A_7 : vector<1x1x128xf32>
    %log3A = math.log %add3A_7 : vector<1x1x128xf32>
    %log3A_10 = arith.constant 2.000000e+00 : f32
    %log3A_11 = math.log %log3A_10 : f32
    %div3A_12 = vector.broadcast %log3A_11 : f32 to vector<1x1x128xf32>
    %div3A_13 = arith.divf %log3A, %div3A_12 : vector<1x1x128xf32>
    %neg3A = arith.constant 0.000000e+00 : f32
    %neg3A_14 = vector.broadcast %neg3A : f32 to vector<1x1x128xf32>
    %neg3A_15 = arith.subf %neg3A_14, %div3A_13 : vector<1x1x128xf32>
    %sub3A = arith.constant 1.32574809 : f32
    %sub3A_16 = vector.broadcast %sub3A : f32 to vector<1x1x128xf32>
    %sub3A_17 = arith.subf %neg3A_15, %sub3A_16 : vector<1x1x128xf32>
    %get3A_18 = arith.constant 0 : index
    %get3A_19 = arith.constant 0 : index
    %get3A_20 = vector.load %arg1[%get3A_18, %get3A_19] : memref<128x256xf32, #tpu.memory_space<vmem>>, vector<128x256xf32>
    %broadcast_in_dim3A = vector.shape_cast %get3A_20 : vector<128x256xf32> to vector<128x256x1xf32>
    %sub3A_21 = vector.broadcast %broadcast_in_dim3A : vector<128x256x1xf32> to vector<128x256x128xf32>
    %sub3A_22 = vector.broadcast %reshape3A : vector<1x1x128xf32> to vector<128x256x128xf32>
    %sub3A_23 = arith.subf %sub3A_21, %sub3A_22 : vector<128x256x128xf32>
    %mul3A = vector.broadcast %div3A_9 : vector<1x1x128xf32> to vector<128x256x128xf32>
    %mul3A_24 = arith.mulf %sub3A_23, %mul3A : vector<128x256x128xf32>
    %mul3A_25 = arith.mulf %mul3A_24, %mul3A_24 : vector<128x256x128xf32>
    %sub3A_26 = vector.broadcast %sub3A_17 : vector<1x1x128xf32> to vector<128x256x128xf32>
    %sub3A_27 = arith.subf %sub3A_26, %mul3A_25 : vector<128x256x128xf32>
    %exp23A = math.exp2 %sub3A_27 : vector<128x256x128xf32>
    %swap3A = arith.constant 0 : index
    %swap3A_28 = arith.constant 0 : index
    %swap3A_29 = arith.constant 0 : index
    %swap3A_30 = vector.load %arg4[%swap3A, %swap3A_28, %swap3A_29] : memref<128x256x128xf32, #tpu.memory_space<vmem>>, vector<128x256x128xf32>
    tpu.vector_store %arg4[%swap3A, %swap3A_28, %swap3A_29], %exp23A {strides = array<i32>} : memref<128x256x128xf32, #tpu.memory_space<vmem>>, vector<128x256x128xf32>,
    return
  }
  func.func @transform_0(%arg0: i32) -> (i32, i32) {
    %c0_i32 = arith.constant 0 : i32
    %c0_i32_0 = arith.constant 0 : i32
    return %arg0, %c0_i32 : i32, i32
  }
  func.func @transform_1(%arg0: i32) -> (i32, i32) {
    %c0_i32 = arith.constant 0 : i32
    %c0_i32_0 = arith.constant 0 : i32
    %c0_i32_1 = arith.constant 0 : i32
    return %c0_i32, %c0_i32_0 : i32, i32
  }
  func.func @transform_2(%arg0: i32) -> (i32, i32) {
    %c0_i32 = arith.constant 0 : i32
    %c0_i32_0 = arith.constant 0 : i32
    %c0_i32_1 = arith.constant 0 : i32
    return %c0_i32, %c0_i32_0 : i32, i32
  }
  func.func @transform_3(%arg0: i32) -> (i32, i32, i32) {
    %c0_i32 = arith.constant 0 : i32
    %c0_i32_0 = arith.constant 0 : i32
    %c0_i32_1 = arith.constant 0 : i32
    return %arg0, %c0_i32, %c0_i32_0 : i32, i32, i32
  }
}

</mosaic_0001>

<sc_bundles>
// kernel: kernel.4.cloned.1.call-start
scs
__scs_entry_jumppad:
0x0: {  	(pc) =	sbr.rel $0x88, $3  }
0x1: {  	(tag) =	ssettag $0x0;
	lr =	simm.s32 $0x1  }
0x2: {  	[smem:$0x3F9B] =	sst lr;
	_ =	strace $0xD0000000  }
0x3: {  	_ = 	snop  }
0x4: {  	_ = 	snop  }
0x5: {  	_ = 	snop  }
0x6: {  	_ = 	snop  }
0x7: {  	_ = 	snop  }
__scs_overlays_trampoline_lowered:
0x8: {  	[smem:$0x3FAA] =	sst s0  }
0x9: {  	[smem:$0x3FAB] =	sst s1  }
0xa: {  	[smem:$0x3FAC] =	sst s2  }
0xb: {  	[smem:$0x3FAD] =	sst s3  }
0xc: {  	[smem:$0x3FAE] =	sst s4  }
0xd: {  	[smem:$0x3FAF] =	sst s5  }
0xe: {  	[smem:$0x3FB0] =	sst s6  }
0xf: {  	[smem:$0x3FB1] =	sst s7  }
0x10: {  	[smem:$0x3FB2] =	sst s8  }
0x11: {  	[smem:$0x3FB3] =	sst s9;
	s0 =	simm.s32 @!p0 $0x0  }
0x12: {  	s1 =	sld [smem:$0x3F99];
	s0 =	simm.s32 @p0 $0x1  }
0x13: {  	[smem:$0x3FB4] =	sst s0;
	s0 =	simm.s32 @!p1 $0x0  }
0x14: {  	s2 =	sld [smem:$0x3F98];
	s0 =	simm.s32 @p1 $0x1  }
0x15: {  	[smem:$0x3FB5] =	sst s0;
	s0 =	simm.s32 @!p2 $0x0  }
0x16: {  	s3 =	sld [smem:$0x3FDB];
	s0 =	simm.s32 @p2 $0x1  }
0x17: {  	s4 =	simm.s32 $0x1BF5;
	[smem:$0x3FB7] =	sst s0  }
0x18: {  	s0 =	sld [smem:$0x3F9A];
	_ =	swait.ge [sflag:s4], $0x0  }
0x19: {  	s7 =	sld [smem:$0x3F9B]  }
0x1a: {  	s8 =	sadd.s32 $0xFFFFE003, lr  }
0x1b: {  	s9 =	sadd.s32 $0xFFFFFEF7, lr;
	s5 =	simm.s32 $0xFFFFFFFF;
	p2 =	slt.u32 s8, $0xFFFFF086  }
0x1c: {  	p1 =	slt.u32 s9, $0xF7A;
	s5 =	simm.s32 @!p2 $0x0  }
0x1d: {  	s5 =	simm.s32 @p1 $0x1;
	p0 =	seq.s32 s7, s2  }
0x1e: {  	s7 =	smul.u32 @!p0 $0xF7A, s2;
	p2 =	seq.s32 @!p0 s5, $0x0  }
0x1f: {  	s9 =	smul.u32 $0xF7A, s1;
	s8 =	simm.s32 @!p0 $0x1BF5;
	p2 =	por !p2, p0  }
0x20: {  	[sflag:s8] =	ssyncset.s32 @!p0 $0xFFFFF086;
	s6 =	sadd.s32 @!p0 s3, s7;
	s7 =	simm.s32 @!p0 $0x108  }
0x21: {  	s3 =	sadd.s32 s3, s9;
	s6 =	sadd.s32 @!p0 $0x88, s6;
	s7 =	simm.s32 @p2 $0x1082  }
0x22: {  	[simem:s7], [sflag:s8] =	dma.local @!p0 [hbm:s6], $0xF7A  }
0x23: {  	s9 =	sor.u32 $0xD0000000, s2;
	s6 =	simm.s32 $0x108;
	_ =	swait.ge @!p0 [sflag:s8], $0x0  }
0x24: {  	s3 =	sadd.s32 $0x88, s3;
	s6 =	simm.s32 @!p1 $0x1082;
	[sflag:s4] =	ssyncset.s32 $0xFFFFF086  }
0x25: {  	[simem:s6], [sflag:s4] =	dma.local [hbm:s3], $0xF7A  }
0x26: {  	[smem:$0x3F9B] =	sst s1;
	(tag) =	ssettag s2;
	_ =	strace s9  }
0x27: {  	s1 =	sld [smem:$0x3FAB]  }
0x28: {  	s2 =	sld [smem:$0x3FAC]  }
0x29: {  	s4 =	sld [smem:$0x3FAE]  }
0x2a: {  	p0 =	seq.s32 s5, $0x0;
	s5 =	sld [smem:$0x3FAF]  }
0x2b: {  	s6 =	sld [smem:$0x3FB0]  }
0x2c: {  	s7 =	sld [smem:$0x3FB1]  }
0x2d: {  	s3 =	simm.s32 $0x108;
	s8 =	sld [smem:$0x3FB2]  }
0x2e: {  	s3 =	simm.s32 @!p0 $0x1082;
	s9 =	sld [smem:$0x3FB3]  }
0x2f: {  	lr =	sadd.s32 s0, s3;
	s0 =	sld [smem:$0x3FAA]  }
0x30: {  	s3 =	sld [smem:$0x3FAD]  }
0x31: {  	[smem:$0x3FB6] =	sst s10  }
0x32: {  	s10 =	sld [smem:$0x3FB4];
	_ =	sdelay $0x3  }
0x33: {  	p0 =	seq.s32 s10, $0x1;
	s10 =	sld [smem:$0x3FB6];
	_ =	sdelay $0x3  }
0x34: {  	[smem:$0x3FB6] =	sst s10  }
0x35: {  	s10 =	sld [smem:$0x3FB5];
	_ =	sdelay $0x3  }
0x36: {  	p1 =	seq.s32 s10, $0x1;
	s10 =	sld [smem:$0x3FB6];
	_ =	sdelay $0x3  }
0x37: {  	[smem:$0x3FB6] =	sst s10  }
0x38: {  	s10 =	sld [smem:$0x3FB7]  }
0x39: {  	_ = 	snop;
	(pc) =	sbr.ind lr, $3  }
0x3a: {  	_ = 	snop  }
0x3b: {  	_ = 	snop  }
0x3c: {  	p2 =	seq.s32 s10, $0x1;
	s10 =	sld [smem:$0x3FB6]  }
0x3d: {  	_ =	shalt  }
0x3e: {  	_ =	shalt  }
0x3f: {  	_ =	shalt  }
0x40: {  	_ =	shalt  }
0x41: {  	_ =	shalt  }
0x42: {  	_ =	shalt  }
0x43: {  	_ =	shalt  }
0x44: {  	_ =	shalt  }
0x45: {  	_ =	shalt  }
0x46: {  	_ =	shalt  }
0x47: {  	_ =	shalt  }
0x48: {  	_ =	shalt  }
0x49: {  	_ =	shalt  }
0x4a: {  	_ =	shalt  }
0x4b: {  	_ =	shalt  }
0x4c: {  	_ =	shalt  }
0x4d: {  	_ =	shalt  }
0x4e: {  	_ =	shalt  }
0x4f: {  	_ =	shalt  }
0x50: {  	_ =	shalt  }
0x51: {  	_ =	shalt  }
0x52: {  	_ =	shalt  }
0x53: {  	_ =	shalt  }
0x54: {  	_ =	shalt  }
0x55: {  	_ =	shalt  }
0x56: {  	_ =	shalt  }
0x57: {  	_ =	shalt  }
0x58: {  	_ =	shalt  }
0x59: {  	_ =	shalt  }
0x5a: {  	_ =	shalt  }
0x5b: {  	_ =	shalt  }
0x5c: {  	_ =	shalt  }
0x5d: {  	_ =	shalt  }
0x5e: {  	_ =	shalt  }
0x5f: {  	_ =	shalt  }
0x60: {  	_ =	shalt  }
0x61: {  	_ =	shalt  }
0x62: {  	_ =	shalt  }
0x63: {  	_ =	shalt  }
0x64: {  	_ =	shalt  }
0x65: {  	_ =	shalt  }
0x66: {  	_ =	shalt  }
0x67: {  	_ =	shalt  }
0x68: {  	_ =	shalt  }
0x69: {  	_ =	shalt  }
0x6a: {  	_ =	shalt  }
0x6b: {  	_ =	shalt  }
0x6c: {  	_ =	shalt  }
0x6d: {  	_ =	shalt  }
0x6e: {  	_ =	shalt  }
0x6f: {  	_ =	shalt  }
0x70: {  	_ =	shalt  }
0x71: {  	_ =	shalt  }
0x72: {  	_ =	shalt  }
0x73: {  	_ =	shalt  }
0x74: {  	_ =	shalt  }
0x75: {  	_ =	shalt  }
0x76: {  	_ =	shalt  }
0x77: {  	_ =	shalt  }
0x78: {  	_ =	shalt  }
0x79: {  	_ =	shalt  }
0x7a: {  	_ =	shalt  }
0x7b: {  	_ =	shalt  }
0x7c: {  	_ =	shalt  }
0x7d: {  	_ =	shalt  }
0x7e: {  	_ =	shalt  }
0x7f: {  	_ =	shalt  }
0x80: {  	_ =	shalt  }
0x81: {  	_ =	shalt  }
0x82: {  	_ =	shalt  }
0x83: {  	_ =	shalt  }
0x84: {  	_ =	shalt  }
0x85: {  	_ =	shalt  }
0x86: {  	_ =	shalt  }
0x87: {  	_ =	shalt  }
.Lfunc_end0:
.L_simem_size_0:
called_computation_lowered:
.L_overlay_start_0:
0x88: {  	s2 =	sld [smem:$0x3FD9]  }
0x89: {  	s3 =	sld [smem:$0x3FFE];
	_ =	sdelay $0x1  }
0x8a: {  	s1 =	srdreg.scid  }
0x8b: {  	s0 =	sand.u32 $0x1, s1  }
0x8c: {  	s18 =	sshll.u32 s0, $0xA;
	s2 =	sadd.s32 s3, s2  }
0x8d: {  	s2 =	sadd.s32 s2, s18  }
0x8e: {  	[smem:$0x3FC2] =	sst s2  }
0x8f: {  	_ = 	snop  }
0x90: {  	s2 =	sld [smem:$0x3FC9]  }
0x91: {  	s19 =	sld [smem:$0x3FC8]  }
0x92: {  	s4 =	sld [smem:$0x3FC5]  }
0x93: {  	s5 =	sld [smem:$0x3FC4]  }
0x94: {  	s6 =	sld [smem:$0x3FD0];
	(tm) =	ssettm $0x1  }
0x95: {  	s7 =	sld [smem:$0x3FFB];
	_ =	sdelay $0x3  }
0x96: {  	_ =	strace s7  }
0x97: {  	s7 =	sld [smem:$0x3FFC];
	_ =	sdelay $0x3  }
0x98: {  	_ =	strace s7  }
0x99: {  	s7 =	sld [smem:$0x3FFD];
	_ =	sdelay $0x3  }
0x9a: {  	_ =	strace s7  }
0x9b: {  	_ =	strace $0x8FFFFFFF  }
0x9c: {  	s20 =	sld [smem:$0x3FDB];
	_ =	sdelay $0x1  }
0x9d: {  	s8 =	simm.s32 $_scs_section_size  }
0x9e: {  	s9 =	simm.s32 $_size__tile_overlayer_lowered;
	s10 =	simm.s32 $_tile_overlayer_lowered  }
0x9f: {  	s23 =	simm.s32 $0x1BFF;
	s22 =	sshll.u32 s10, $0x1;
	s7 =	sadd.s32 s8, s20  }
0xa0: {  	s11 =	simm.s32 $0x0;
	s21 =	sshll.u32 s9, $0x1;
	s9 =	sadd.s32 s22, s7  }
0xa1: {  	[timem:s11], [sflag:s23] =	dma.local [hbm:s9], s21  }
0xa2: {  	_ =	swait.ge [sflag:s23], s21  }
0xa3: {  	s8 =	ssub.s32 $0x0, s21;
	[sflag:s23] =	ssyncset.done $0x0  }
0xa4: {  	[sflag:s23] =	ssyncadd.s32 s8;
	_ =	sdelay $0x1  }
0xa5: {  	s24 =	simm.s32 $0x1B8B  }
0xa6: {  	_ =	swait.ge [sflag:s24], $0x1  }
0xa7: {  	[sflag:s24] =	ssyncset.done $0x0  }
0xa8: {  	s25 =	simm.s32 $0x1B8E;
	[sflag:s24] =	ssyncadd.s32 $0xFFFFFFFF  }
0xa9: {  	s26 =	simm.s32 $execute0_lowered;
	[smem:$0x3FD2] =	sst s25  }
0xaa: {  	s8 =	sshll.u32 s26, $0x1;
	_ =	strace $0x80000046;
	[dreg:$0x1] =	wrdreg $0xFFFFFFFF  }
0xab: {  	s28 =	simm.s32 $_size_execute0_lowered;
	s7 =	sadd.s32 s7, s8;
	[dreg:$0x0] =	wrdreg $0x0  }
0xac: {  	s8 =	sshll.u32 s28, $0x1;
	[dreg:$0x2] =	wrdreg s7  }
0xad: {  	[dreg:$0x3] =	wrdreg s8  }
0xae: {  	[dreg:$0x4] =	wrdreg $0xC0  }
0xaf: {  	_ =	task [dreg:s11], $0x5FFFF  }
0xb0: {  	[dreg:$0x1] =	wrdreg $0xFFFFFFFF  }
0xb1: {  	[dreg:$0x0] =	wrdreg $0x60  }
0xb2: {  	[dreg:$0x2] =	wrdreg s2  }
0xb3: {  	[dreg:$0x3] =	wrdreg s19  }
0xb4: {  	[dreg:$0x4] =	wrdreg s4  }
0xb5: {  	[dreg:$0x5] =	wrdreg s5  }
0xb6: {  	[dreg:$0x6] =	wrdreg s6  }
0xb7: {  	[dreg:$0x7] =	wrdreg $0x9  }
0xb8: {  	_ =	task.clear_ibuf [dreg:s11], $0x8FFFF;
	_ =	strace $0x90000046  }
0xb9: {  	s29 =	simm.s32 $0x9;
	_ =	strace $0x80000048  }
0xba: {  	_ =	swait.ge [sflag:s29], $0x1  }
0xbb: {  	[sflag:s29] =	ssyncadd.s32 $0xFFFFFFFF  }
0xbc: {  	_ =	strace $0x90000048  }
0xbd: {  	_ =	sfence  }
0xbe: {  	s30 =	sld [smem:$0x0];
	_ =	sdelay $0x2  }
0xbf: {  	s31 =	sshll.u32 s1, $0xD;
	s1 =	sshrl.u32 s1, $0x2  }
0xc0: {  	s3 =	sand.u32 $0x4000, s31;
	s1 =	sadd.s32 s1, s30  }
0xc1: {  	s0 =	sor.u32 s3, s0;
	s1 =	sshll.u32 s1, $0x11  }
0xc2: {  	s0 =	sor.u32 s1, s0  }
0xc3: {  	s0 =	sadd.s32 $0x8F2B, s0  }
0xc4: {  	[sflag:s0] =	ssyncadd.remote.s32 $0x1  }
0xc5: {  	_ =	sfence.sel $0xFFFF  }
0xc6: {  	[dreg:$0x0] =	wrdreg $0xFFFFFFFF;
	(pc) =	sbr.abs _section_cstart, $3  }
0xc7: {  	[dreg:$0x1] =	wrdreg $0xFFFFFFFF  }
0xc8: {  	_ =	task.clear_ibuf [dreg:s11], $0x2FFFF;
	_ =	strace $0x9FFFFFFF  }
0xc9: {  	(tm) =	ssettm $0x7FFFFFFF  }
tec
execute0_lowered:
.L_overlay_start_1:
0x0: {  	(tag) =	ssettag $0x1  }
0x1: {  	s5 =	rddreg [dreg:$0x0]  }
0x2: {  	s6 =	rddreg [dreg:$0x1]  }
0x3: {  	s1 =	rddreg [dreg:$0x2]  }
0x4: {  	s2 =	rddreg [dreg:$0x3]  }
0x5: {  	s7 =	rddreg [dreg:$0x4]  }
0x6: {  	s0 =	rddreg [dreg:$0x5];
	s8 =	srdreg.scid  }
0x7: {  	s4 =	simm.s32 $0x0;
	s3 =	stileid.u32;
	s12 =	simm.s32 $0x2000  }
0x8: {  	s13 =	simm.s32 $0x4800;
	s14 =	simm.s32 $0x0;
	s8 =	sand.u32 $0x1, s8  }
0x9: {  	s10 =	sshll.u32 s3, $0xB;
	[smem:$0x7FF] =	sst s4;
	s9 =	ssub.s32 $0x2, s8  }
0xa: {  	s8 =	sshll.u32 s8, $0xA;
	_ =	strace $0x80000047;
	s11 =	sshrl.u32 s9, $0x1  }
0xb: {  	s8 =	sor.u32 s8, s10;
	s10 =	simm.s32 $0x1;
	s9 =	ssub.s32 s9, s11  }
0xc: {  	s5 =	sadd.s32 s5, s8;
	s6 =	sadd.s32 s6, s8;
	s7 =	sadd.s32 s7, s8  }
0xd: {  	s11 =	simm.s32 $0x4400;
	s8 =	smax.u32 s9, $0x1;
	s9 =	simm.s32 $0x4000  }
.LBB2_1:
0xe: {  	[tilespmem:s9], [sflag:$0x1] =	stream.linear.gather [hbm4b:s1+s4], $0x400, $0x38;
	[tilespmem:$0x6800] =	vst v63  }
0xf: {  	_ =	swait.ge [sflag:s10], $0x400  }
0x10: {  	[sflag:s10] =	ssyncset.done $0x0  }
0x11: {  	[sflag:s10] =	ssyncadd.s32 $0xFFFFFC00  }
0x12: {  	[tilespmem:s11], [sflag:$0x1] =	stream.linear.gather [hbm4b:s2+s4], $0x400, $0x38;
	[tilespmem:$0x6800] =	vst v63  }
0x13: {  	_ =	swait.ge [sflag:s10], $0x400  }
0x14: {  	[sflag:s10] =	ssyncset.done $0x0  }
0x15: {  	[sflag:s10] =	ssyncadd.s32 $0xFFFFFC00  }
0x16: {  	[tilespmem:s4], [sflag:$0x1] =	stream.linear.gather [hbm4b:s5+s4], $0x2000, $0x38;
	[tilespmem:$0x6800] =	vst v63  }
0x17: {  	_ =	swait.ge [sflag:s10], $0x2000  }
0x18: {  	[sflag:s10] =	ssyncset.done $0x0  }
0x19: {  	s15 =	simm.s32 $0x0;
	s16 =	sand.u32 $0x400, s4;
	[sflag:s10] =	ssyncadd.s32 $0xFFFFE000  }
0x1a: {  	[tilespmem:s12], [sflag:$0x1] =	stream.linear.gather [hbm4b:s6+s4], $0x2000, $0x38;
	[tilespmem:$0x6800] =	vst v63  }
0x1b: {  	s17 =	simm.s32 $0x0;
	s15 =	sand.u32 $0x1800, s15;
	_ =	swait.ge [sflag:s10], $0x2000  }
0x1c: {  	s31 =	sand.u32 $0x380, s17;
	s15 =	sor.u32 s16, s15;
	[sflag:s10] =	ssyncset.done $0x0  }
0x1d: {  	s15 =	sor.u32 s31, s15;
	[sflag:s10] =	ssyncadd.s32 $0xFFFFE000  }
0x1e: {  	v5 =	vld [tilespmem:s15+$0x2070]  }
0x1f: {  	v8 =	vld [tilespmem:s15+$0x2000]  }
0x20: {  	v15 =	vld [tilespmem:s15+$0x2010]  }
0x21: {  	v4 =	vld [tilespmem:s15+$0x2020]  }
0x22: {  	v3 =	vld [tilespmem:s15+$0x2030]  }
0x23: {  	v2 =	vld [tilespmem:s15+$0x2040]  }
0x24: {  	v1 =	vld [tilespmem:s15+$0x2050]  }
0x25: {  	v0 =	vld [tilespmem:s15+$0x2060]  }
0x26: {  	v10 =	vld [tilespmem:s15+$0x70]  }
0x27: {  	v20 =	vld [tilespmem:s15+$0x0]  }
0x28: {  	v21 =	vld [tilespmem:s15+$0x10]  }
0x29: {  	v22 =	vld [tilespmem:s15+$0x20]  }
0x2a: {  	v23 =	vld [tilespmem:s15+$0x30]  }
0x2b: {  	v16 =	vld [tilespmem:s15+$0x40]  }
0x2c: {  	v13 =	vld [tilespmem:s15+$0x50]  }
0x2d: {  	v12 =	vld [tilespmem:s15+$0x60]  }
0x2e: {  	v9 =	vld.idx.msk [tilespmem:v5+s9+$0x0], $0xffff  }
0x2f: {  	v11 =	vld.idx.msk [tilespmem:v5+s11+$0x0], $0xffff  }
0x30: {  	v14 =	vld.idx.msk [tilespmem:v8+s9+$0x0], $0xffff  }
0x31: {  	v17 =	vld.idx.msk [tilespmem:v15+s9+$0x0], $0xffff  }
0x32: {  	v18 =	vld.idx.msk [tilespmem:v4+s9+$0x0], $0xffff  }
0x33: {  	v19 =	vld.idx.msk [tilespmem:v3+s9+$0x0], $0xffff  }
0x34: {  	v7 =	vld.idx.msk [tilespmem:v2+s9+$0x0], $0xffff;
	v9 =	vmul.f32 v10, v9  }
0x35: {  	v6 =	vld.idx.msk [tilespmem:v1+s9+$0x0], $0xffff  }
0x36: {  	v5 =	vld.idx.msk [tilespmem:v0+s9+$0x0], $0xffff;
	v10 =	vadd.f32 v9, v11  }
0x37: {  	v15 =	vld.idx.msk [tilespmem:v15+s11+$0x0], $0xffff;
	v11 =	vmul.f32 v20, v14;
	v9 =	vmul.f32 v21, v17  }
0x38: {  	s17 =	simm.s32 $0x0;
	s16 =	simm.s32 $0x0;
	v14 =	vld.idx.msk [tilespmem:v8+s11+$0x0], $0xffff;
	v8 =	vmul.f32 v23, v19;
	[tilespmem:s15+$0x4870] =	vst v10;
	v10 =	vmul.f32 v22, v18  }
.LBB2_2:
0x39: {  	s16 =	sadd.s32 $0x8, s16;
	v4 =	vld.idx.msk [tilespmem:v4+s11+$0x0], $0xffff;
	v7 =	vmul.f32 v16, v7  }
0x3a: {  	s17 =	sadd.s32 $0x400, s17;
	s18 =	sshll.u32 s16, $0x4;
	p0 =	slt.u32 s16, $0x1F8;
	v3 =	vld.idx.msk [tilespmem:v3+s11+$0x0], $0xffff;
	v6 =	vmul.f32 v13, v6  }
0x3b: {  	s19 =	sand.u32 $0x400, s17;
	s20 =	sshll.u32 s16, $0x3;
	s18 =	sand.u32 $0x1800, s18;
	v2 =	vld.idx.msk [tilespmem:v2+s11+$0x0], $0xffff;
	v5 =	vmul.f32 v12, v5  }
0x3c: {  	s18 =	sor.u32 s19, s18;
	s19 =	sand.u32 $0x380, s20;
	v1 =	vld.idx.msk [tilespmem:v1+s11+$0x0], $0xffff  }
0x3d: {  	v11 =	vadd.f32 v11, v14;
	s18 =	sor.u32 s19, s18;
	v0 =	vld.idx.msk [tilespmem:v0+s11+$0x0], $0xffff  }
0x3e: {  	v9 =	vadd.f32 v9, v15;
	v12 =	vld [tilespmem:s18+$0x2070]  }
0x3f: {  	v10 =	vadd.f32 v10, v4;
	v14 =	vld [tilespmem:s18+$0x2000];
	[tilespmem:s15+$0x4800] =	vst v11  }
0x40: {  	v8 =	vadd.f32 v8, v3;
	v15 =	vld [tilespmem:s18+$0x2010];
	[tilespmem:s15+$0x4810] =	vst v9  }
0x41: {  	v7 =	vadd.f32 v7, v2;
	v4 =	vld [tilespmem:s18+$0x2020];
	[tilespmem:s15+$0x4820] =	vst v10  }
0x42: {  	v6 =	vadd.f32 v6, v1;
	v3 =	vld [tilespmem:s18+$0x2030];
	[tilespmem:s15+$0x4830] =	vst v8  }
0x43: {  	v5 =	vadd.f32 v5, v0;
	v2 =	vld [tilespmem:s18+$0x2040];
	[tilespmem:s15+$0x4840] =	vst v7  }
0x44: {  	v1 =	vld [tilespmem:s18+$0x2050];
	[tilespmem:s15+$0x4850] =	vst v6  }
0x45: {  	v0 =	vld [tilespmem:s18+$0x2060];
	[tilespmem:s15+$0x4860] =	vst v5;
	s15 =	smov.u32 s18  }
0x46: {  	v5 =	vld.idx.msk [tilespmem:v12+s9+$0x0], $0xffff  }
0x47: {  	v6 =	vld [tilespmem:s15+$0x70]  }
0x48: {  	v8 =	vld.idx.msk [tilespmem:v12+s11+$0x0], $0xffff  }
0x49: {  	v9 =	vld.idx.msk [tilespmem:v14+s9+$0x0], $0xffff  }
0x4a: {  	v10 =	vld.idx.msk [tilespmem:v15+s9+$0x0], $0xffff  }
0x4b: {  	v17 =	vld.idx.msk [tilespmem:v4+s9+$0x0], $0xffff  }
0x4c: {  	v18 =	vld.idx.msk [tilespmem:v3+s9+$0x0], $0xffff;
	v5 =	vmul.f32 v6, v5  }
0x4d: {  	v7 =	vld.idx.msk [tilespmem:v2+s9+$0x0], $0xffff  }
0x4e: {  	v6 =	vld.idx.msk [tilespmem:v1+s9+$0x0], $0xffff;
	v8 =	vadd.f32 v5, v8  }
0x4f: {  	v5 =	vld.idx.msk [tilespmem:v0+s9+$0x0], $0xffff  }
0x50: {  	v11 =	vld [tilespmem:s15+$0x0];
	[tilespmem:s15+$0x4870] =	vst v8  }
0x51: {  	v8 =	vld [tilespmem:s15+$0x10]  }
0x52: {  	v19 =	vld [tilespmem:s15+$0x20]  }
0x53: {  	v20 =	vld [tilespmem:s15+$0x30]  }
.Ltmp0:
0x54: {  	v16 =	vld [tilespmem:s15+$0x40];
	(pc) =	sbr.rel @p0 .LBB2_2-.Ltmp0, $4  }
0x55: {  	v11 =	vmul.f32 v11, v9;
	v13 =	vld [tilespmem:s15+$0x50]  }
0x56: {  	v9 =	vmul.f32 v8, v10;
	v12 =	vld [tilespmem:s15+$0x60]  }
0x57: {  	v14 =	vld.idx.msk [tilespmem:v14+s11+$0x0], $0xffff;
	v10 =	vmul.f32 v19, v17  }
0x58: {  	v15 =	vld.idx.msk [tilespmem:v15+s11+$0x0], $0xffff;
	v8 =	vmul.f32 v20, v18  }
0x59: {  	_ =	sdelay $0x3  }
0x5a: {  	v4 =	vld.idx.msk [tilespmem:v4+s11+$0x0], $0xffff  }
0x5b: {  	v3 =	vld.idx.msk [tilespmem:v3+s11+$0x0], $0xffff  }
0x5c: {  	v2 =	vld.idx.msk [tilespmem:v2+s11+$0x0], $0xffff  }
0x5d: {  	v1 =	vld.idx.msk [tilespmem:v1+s11+$0x0], $0xffff;
	v11 =	vadd.f32 v11, v14  }
0x5e: {  	v0 =	vld.idx.msk [tilespmem:v0+s11+$0x0], $0xffff;
	v9 =	vadd.f32 v9, v15  }
0x5f: {  	v7 =	vmul.f32 v16, v7;
	[tilespmem:s15+$0x4800] =	vst v11;
	v4 =	vadd.f32 v10, v4  }
0x60: {  	v6 =	vmul.f32 v13, v6;
	v3 =	vadd.f32 v8, v3;
	[tilespmem:s15+$0x4810] =	vst v9  }
0x61: {  	v5 =	vmul.f32 v12, v5;
	v2 =	vadd.f32 v7, v2;
	[tilespmem:s15+$0x4820] =	vst v4  }
0x62: {  	v1 =	vadd.f32 v6, v1;
	[tilespmem:s15+$0x4830] =	vst v3  }
0x63: {  	s14 =	sadd.s32 $0x1, s14;
	v0 =	vadd.f32 v5, v0;
	[tilespmem:s15+$0x4840] =	vst v2  }
0x64: {  	p0 =	sne.s32 s14, s8;
	[tilespmem:s15+$0x4850] =	vst v1  }
.Ltmp1:
0x65: {  	[tilespmem:s15+$0x4860] =	vst v0;
	(pc) =	sbr.rel @p0 .LBB2_1-.Ltmp1, $4  }
0x66: {  	[hbm4b:s7+s4] =	stream.linear.scatter [tilespmem:s13], [sflag:$0x1], $0x2000, $0x38;
	[tilespmem:$0x6800] =	vst v63  }
0x67: {  	_ =	swait.ge [sflag:s10], $0x2000  }
0x68: {  	[sflag:s10] =	ssyncset.done $0x0  }
0x69: {  	[sflag:s10] =	ssyncadd.s32 $0xFFFFE000  }
0x6a: {  	_ =	sfence.sel $0x180000  }
0x6b: {  	[bflag:$0x0] =	sbarrier.arrive $0xFFFF  }
0x6c: {  	p0 =	sne.s32 s3, $0x0;
	_ =	strace $0x90000047  }
0x6d: {  	s0 =	sadd.s32 @!p0 $0x100000, s0;
	[bflag:$0x2] =	sbarrier.arrive $0xFFFF  }
0x6e: {  	[sflag:s0] =	ssyncadd.tile.s32 @!p0 $0x1;
	_ =	shalt  }
.Lfunc_end2:
_tile_overlayer_lowered:
.L_overlay_start_2:
0x6f: {  	(tag) =	ssettag $0x2  }
0x70: {  	s0 =	rddreg [dreg:$0x0];
	s2 =	stileid.u32  }
0x71: {  	s1 =	rddreg [dreg:$0x1];
	p0 =	sne.s32 s2, $0x0  }
0x72: {  	s3 =	rddreg [dreg:$0x2];
	[bflag:$0x3] =	sbarrier.arrive $0xFFFF;
	s2 =	simm.s32 @!p0 $0x1C01  }
0x73: {  	[timem:s3], [sflag:s2] =	dma.local @!p0 [hbm:s0], s1  }
0x74: {  	s0 =	simm.s32 @!p0 $0x1  }
0x75: {  	_ =	swait.ge @!p0 [sflag:s0], s1  }
0x76: {  	s1 =	ssub.s32 @!p0 $0x0, s1;
	[sflag:s0] =	ssyncset.done @!p0 $0x0  }
0x77: {  	[sflag:s0] =	ssyncadd.s32 @!p0 s1  }
0x78: {  	[bflag:$0x3] =	sbarrier.arrive $0xFFFF  }
0x79: {  	_ =	shalt  }

</sc_bundles>
